<compile_context>
chip_gen: v7x
topology: tpu7x:2x2x1
jax: 0.10.2.dev20260603
libtpu: 0.0.44.dev20260713+nightly
codegen_flags: <defaults>
</compile_context>

<pallas_src>
import functools

import jax
import jax.numpy as jnp
from jax import lax
from jax.experimental import pallas as pl
from jax.experimental.pallas import tpu as pltpu
from jax.experimental.pallas import tpu_sc as plsc

B = 16384
D = 128
NC, NS = 2, 16
NW = NC * NS
CHUNKS = (B,)


def _make_gather_body(b_per_w, half):
    def _gather_body(user_tab, item_tab, uidx_hbm, iidx_hbm, x_hbm,
                     uidx_v, iidx_v, r0, r1, g0, g1, w0, w1):
        wid = lax.axis_index("s") * NC + lax.axis_index("c")
        base = wid * b_per_w
        pltpu.sync_copy(uidx_hbm.at[pl.ds(base, b_per_w)], uidx_v)
        pltpu.sync_copy(iidx_hbm.at[pl.ds(base, b_per_w)], iidx_v)

        items = [
            (uidx_v, user_tab, 0, 0),
            (uidx_v, user_tab, 0, half),
            (iidx_v, item_tab, D, 0),
            (iidx_v, item_tab, D, half),
        ]
        bufs = (r0, r1)
        gsems = (g0, g1)
        wsems = (w0, w1)

        def write(k):
            _, _, col, off = items[k]
            return pltpu.async_copy(
                bufs[k % 2],
                x_hbm.at[pl.ds(base + off, half), pl.ds(col, D)],
                wsems[k % 2])

        copies = [None, None, None, None]
        writes = [None, None]
        for k, (idx_v, tab, col, off) in enumerate(items):
            b = k % 2
            if writes[b] is not None:
                writes[b].wait()
            copies[k] = pltpu.async_copy(
                tab.at[idx_v.at[pl.ds(off, half)]], bufs[b], gsems[b])
            if k >= 1:
                copies[k - 1].wait()
                writes[(k - 1) % 2] = write(k - 1)
        copies[3].wait()
        writes[0].wait()
        writes[1] = write(3)
        writes[1].wait()
    return _gather_body


@functools.lru_cache(maxsize=None)
def _gather_kernel(ch):
    b_per_w = ch // NW
    half = b_per_w // 2
    mesh = plsc.VectorSubcoreMesh(core_axis_name="c", subcore_axis_name="s",
                                  num_cores=NC, num_subcores=NS)
    return pl.kernel(
        _make_gather_body(b_per_w, half),
        out_type=jax.ShapeDtypeStruct((ch, 2 * D), jnp.float32),
        mesh=mesh,
        scratch_types=[
            pltpu.VMEM((b_per_w,), jnp.int32),
            pltpu.VMEM((b_per_w,), jnp.int32),
            pltpu.VMEM((half, D), jnp.float32),
            pltpu.VMEM((half, D), jnp.float32),
            pltpu.SemaphoreType.DMA,
            pltpu.SemaphoreType.DMA,
            pltpu.SemaphoreType.DMA,
            pltpu.SemaphoreType.DMA,
        ],
    )


def _mlp_body(x_ref, w1_ref, b1_ref, w2_ref, b2_ref,
              w3t_ref, b3_ref, out_ref):
    h = jnp.dot(x_ref[...], w1_ref[...], preferred_element_type=jnp.float32)
    h = jnp.maximum(h + b1_ref[...], 0.0)
    h = jnp.dot(h, w2_ref[...], preferred_element_type=jnp.float32)
    h = jnp.maximum(h + b2_ref[...], 0.0)
    o = jax.lax.dot_general(w3t_ref[...], h, (((1,), (1,)), ((), ())),
                            preferred_element_type=jnp.float32)
    out_ref[...] = jax.nn.sigmoid(o + b3_ref[...])[None]


_BB = 8192


def _mlp(x, w1, b1, w2, b2, w3t, b3):
    ch = x.shape[0]
    return pl.pallas_call(
        _mlp_body,
        grid=(ch // _BB,),
        in_specs=[
            pl.BlockSpec((_BB, 2 * D), lambda i: (i, 0)),
            pl.BlockSpec((2 * D, 64), lambda i: (0, 0)),
            pl.BlockSpec((1, 64), lambda i: (0, 0)),
            pl.BlockSpec((64, 32), lambda i: (0, 0)),
            pl.BlockSpec((1, 32), lambda i: (0, 0)),
            pl.BlockSpec((1, 32), lambda i: (0, 0)),
            pl.BlockSpec((1, 1), lambda i: (0, 0)),
        ],
        out_specs=pl.BlockSpec((1, 1, _BB), lambda i: (i, 0, 0)),
        out_shape=jax.ShapeDtypeStruct((ch // _BB, 1, _BB), jnp.float32),
    )(x, w1, b1, w2, b2, w3t, b3)


@jax.jit
def kernel(user, item, user_table, item_table, W1, b1, W2, b2, W3, b3):
    b1r = b1.reshape(1, 64)
    b2r = b2.reshape(1, 32)
    w3t = W3.reshape(1, 32)
    b3r = b3.reshape(1, 1)
    outs = []
    off = 0
    for ch in CHUNKS:
        x = _gather_kernel(ch)(user_table, item_table,
                               user[off:off + ch], item[off:off + ch])
        outs.append(_mlp(x, W1, b1r, W2, b2r, w3t, b3r))
        off += ch
    return jnp.concatenate(outs, axis=0).reshape(B)

# --- scband reference (transcript-rebuilt; emitter-appended) ---
"""Pipeline reference for scband-ncfmodel-44513041056313 (READ-ONLY COPY).

The authoritative reference and input builder live on the scoring server;
editing this copy changes nothing except your own understanding.
"""

import jax, jax.numpy as jnp
import numpy as np

NUM_USERS = 100000
NUM_ITEMS = 100000
EMB_DIM = 128
BATCH = 16384


def setup_inputs(seed: int = 0) -> dict:
    key = jax.random.key(seed)
    ks = jax.random.split(key, 12)
    user = jax.random.randint(ks[0], (BATCH,), 0, NUM_USERS, dtype=jnp.int64 if jax.config.read('jax_enable_x64') else jnp.int32)
    item = jax.random.randint(ks[1], (BATCH,), 0, NUM_ITEMS, dtype=jnp.int64 if jax.config.read('jax_enable_x64') else jnp.int32)
    user_table = jax.random.normal(ks[2], (NUM_USERS, EMB_DIM), dtype=jnp.float32)
    item_table = jax.random.normal(ks[3], (NUM_ITEMS, EMB_DIM), dtype=jnp.float32)
    # fc layers: Linear(2*EMB_DIM, 64) -> ReLU -> Linear(64, 32) -> ReLU -> Linear(32, 1) -> Sigmoid
    W1 = jax.random.normal(ks[4], (2 * EMB_DIM, 64), dtype=jnp.float32) * (1.0 / np.sqrt(2 * EMB_DIM))
    b1 = jnp.zeros((64,), dtype=jnp.float32)
    W2 = jax.random.normal(ks[5], (64, 32), dtype=jnp.float32) * (1.0 / np.sqrt(64))
    b2 = jnp.zeros((32,), dtype=jnp.float32)
    W3 = jax.random.normal(ks[6], (32, 1), dtype=jnp.float32) * (1.0 / np.sqrt(32))
    b3 = jnp.zeros((1,), dtype=jnp.float32)
    return {
        'user': user, 'item': item,
        'user_table': user_table, 'item_table': item_table,
        'W1': W1, 'b1': b1, 'W2': W2, 'b2': b2, 'W3': W3, 'b3': b3,
    }


def reference(user, item, user_table, item_table, W1, b1, W2, b2, W3, b3):
    user_emb = jnp.take(user_table, user, axis=0)   # [B, D]
    item_emb = jnp.take(item_table, item, axis=0)   # [B, D]
    x = jnp.concatenate([user_emb, item_emb], axis=-1)  # [B, 2D]
    x = x.reshape(x.shape[0], -1)
    h = jax.nn.relu(x @ W1 + b1)
    h = jax.nn.relu(h @ W2 + b2)
    out = jax.nn.sigmoid(h @ W3 + b3)
    return jnp.squeeze(out)


if False:  # reference __main__ guard neutralized (emitter)
    inp = setup_inputs()
    out = reference(**inp)
    print(out.shape, out.dtype)

if __name__ == "__main__":
    import jax
    _d = setup_inputs()
    print(jax.jit(kernel)(*tuple(_d.values())))

</pallas_src>

<mosaic_0001>
#map = affine_map<(d0, d1) -> (0, 0)>
#map1 = affine_map<(d0, d1) -> (0)>
module attributes {stable_mosaic.version = 14 : i64} {
  func.func @_gather_body(%arg0: i32, %arg1: i32, %arg2: memref<100000x128xf32, #tpu.memory_space<hbm>>, %arg3: memref<100000x128xf32, #tpu.memory_space<hbm>>, %arg4: memref<16384xi32, #tpu.memory_space<hbm>>, %arg5: memref<16384xi32, #tpu.memory_space<hbm>>, %arg6: memref<16384x256xf32, #tpu.memory_space<hbm>>, %arg7: memref<512xi32, #tpu.memory_space<vmem>>, %arg8: memref<512xi32, #tpu.memory_space<vmem>>, %arg9: memref<256x128xf32, #tpu.memory_space<vmem>>, %arg10: memref<256x128xf32, #tpu.memory_space<vmem>>, %arg11: memref<!tpu.dma_semaphore, #tpu.memory_space<semaphore_mem>>, %arg12: memref<!tpu.dma_semaphore, #tpu.memory_space<semaphore_mem>>, %arg13: memref<!tpu.dma_semaphore, #tpu.memory_space<semaphore_mem>>, %arg14: memref<!tpu.dma_semaphore, #tpu.memory_space<semaphore_mem>>) attributes {dimension_semantics = [#tpu.dimension_semantics<core_parallel>, #tpu.dimension_semantics<subcore_parallel>], iteration_bounds = array<i64: 2, 16>, scalar_prefetch = 0 : i64, scratch_operands = 8 : i64, tpu.core_type = #tpu.core_type<sc_vector_subcore>, window_params = [{transform_indices = #map}, {transform_indices = #map}, {transform_indices = #map1}, {transform_indices = #map1}, {transform_indices = #map}]} {
    %mul3A = arith.constant 2 : i32
    %mul3A_0 = arith.muli %arg1, %mul3A : i32
    %add3A = arith.addi %mul3A_0, %arg0 : i32
    %mul3A_1 = arith.constant 512 : i32
    %mul3A_2 = arith.muli %add3A, %mul3A_1 : i32
    "tpu.region"() ({
      %run_scoped3A = tpu.sem_alloc : memref<!tpu.dma_semaphore, #tpu.memory_space<semaphore_mem>>
      %dma_start3A_81 = tpu.memref_slice %arg4[%mul3A_2] : memref<16384xi32, #tpu.memory_space<hbm>> -> memref<512xi32, #tpu.memory_space<hbm>>
      %dma_start3A_82 = tpu.memref_slice %arg4[%mul3A_2] : memref<16384xi32, #tpu.memory_space<hbm>> -> memref<512xi32, #tpu.memory_space<hbm>>
      tpu.enqueue_dma source(%dma_start3A_82 : memref<512xi32, #tpu.memory_space<hbm>>) target(%arg7 : memref<512xi32, #tpu.memory_space<vmem>>) target_semaphore(%run_scoped3A : memref<!tpu.dma_semaphore, #tpu.memory_space<semaphore_mem>>)
      %dma_wait3A_83 = tpu.memref_slice %arg4[%mul3A_2] : memref<16384xi32, #tpu.memory_space<hbm>> -> memref<512xi32, #tpu.memory_space<hbm>>
      %dma_wait3A_84 = tpu.memref_slice %arg4[%mul3A_2] : memref<16384xi32, #tpu.memory_space<hbm>> -> memref<512xi32, #tpu.memory_space<hbm>>
      tpu.wait_dma2 semaphore(%run_scoped3A : memref<!tpu.dma_semaphore, #tpu.memory_space<semaphore_mem>>) src(%dma_wait3A_84 : memref<512xi32, #tpu.memory_space<hbm>>) dst(%arg7 : memref<512xi32, #tpu.memory_space<vmem>>)
      tpu.yield
    }) : () -> ()
    "tpu.region"() ({
      %run_scoped3A = tpu.sem_alloc : memref<!tpu.dma_semaphore, #tpu.memory_space<semaphore_mem>>
      %dma_start3A_81 = tpu.memref_slice %arg5[%mul3A_2] : memref<16384xi32, #tpu.memory_space<hbm>> -> memref<512xi32, #tpu.memory_space<hbm>>
      %dma_start3A_82 = tpu.memref_slice %arg5[%mul3A_2] : memref<16384xi32, #tpu.memory_space<hbm>> -> memref<512xi32, #tpu.memory_space<hbm>>
      tpu.enqueue_dma source(%dma_start3A_82 : memref<512xi32, #tpu.memory_space<hbm>>) target(%arg8 : memref<512xi32, #tpu.memory_space<vmem>>) target_semaphore(%run_scoped3A : memref<!tpu.dma_semaphore, #tpu.memory_space<semaphore_mem>>)
      %dma_wait3A_83 = tpu.memref_slice %arg5[%mul3A_2] : memref<16384xi32, #tpu.memory_space<hbm>> -> memref<512xi32, #tpu.memory_space<hbm>>
      %dma_wait3A_84 = tpu.memref_slice %arg5[%mul3A_2] : memref<16384xi32, #tpu.memory_space<hbm>> -> memref<512xi32, #tpu.memory_space<hbm>>
      tpu.wait_dma2 semaphore(%run_scoped3A : memref<!tpu.dma_semaphore, #tpu.memory_space<semaphore_mem>>) src(%dma_wait3A_84 : memref<512xi32, #tpu.memory_space<hbm>>) dst(%arg8 : memref<512xi32, #tpu.memory_space<vmem>>)
      tpu.yield
    }) : () -> ()
    %dma_start3A = arith.constant 0 : i32
    %dma_start3A_3 = tpu.memref_slice %arg7[%dma_start3A] : memref<512xi32, #tpu.memory_space<vmem>> -> memref<256xi32, #tpu.memory_space<vmem>>
    %dma_start3A_4 = arith.constant 0 : i32
    %dma_start3A_5 = arith.constant 0 : i32
    %dma_start3A_6 = tpu.memref_slice %arg2[%dma_start3A_4, %dma_start3A_5] : memref<100000x128xf32, #tpu.memory_space<hbm>> -> memref<100000x128xf32, #tpu.memory_space<hbm>>
    tpu.enqueue_indirect_dma source(%dma_start3A_6 : memref<100000x128xf32, #tpu.memory_space<hbm>>) target(%arg9 : memref<256x128xf32, #tpu.memory_space<vmem>>) offsets(%dma_start3A_3 : memref<256xi32, #tpu.memory_space<vmem>>) semaphore(%arg11 : memref<!tpu.dma_semaphore, #tpu.memory_space<semaphore_mem>>)
    %dma_start3A_7 = arith.constant 256 : i32
    %dma_start3A_8 = tpu.memref_slice %arg7[%dma_start3A_7] : memref<512xi32, #tpu.memory_space<vmem>> -> memref<256xi32, #tpu.memory_space<vmem>>
    %dma_start3A_9 = arith.constant 0 : i32
    %dma_start3A_10 = arith.constant 0 : i32
    %dma_start3A_11 = tpu.memref_slice %arg2[%dma_start3A_9, %dma_start3A_10] : memref<100000x128xf32, #tpu.memory_space<hbm>> -> memref<100000x128xf32, #tpu.memory_space<hbm>>
    tpu.enqueue_indirect_dma source(%dma_start3A_11 : memref<100000x128xf32, #tpu.memory_space<hbm>>) target(%arg10 : memref<256x128xf32, #tpu.memory_space<vmem>>) offsets(%dma_start3A_8 : memref<256xi32, #tpu.memory_space<vmem>>) semaphore(%arg12 : memref<!tpu.dma_semaphore, #tpu.memory_space<semaphore_mem>>)
    %dma_wait3A = arith.constant 0 : i32
    %dma_wait3A_12 = tpu.memref_slice %arg7[%dma_wait3A] : memref<512xi32, #tpu.memory_space<vmem>> -> memref<256xi32, #tpu.memory_space<vmem>>
    %dma_wait3A_13 = arith.constant 0 : i32
    %dma_wait3A_14 = arith.constant 0 : i32
    %dma_wait3A_15 = tpu.memref_slice %arg2[%dma_wait3A_13, %dma_wait3A_14] : memref<100000x128xf32, #tpu.memory_space<hbm>> -> memref<100000x128xf32, #tpu.memory_space<hbm>>
    tpu.wait_indirect_dma semaphore(%arg11 : memref<!tpu.dma_semaphore, #tpu.memory_space<semaphore_mem>>) src(%dma_wait3A_15 : memref<100000x128xf32, #tpu.memory_space<hbm>>) dst(%arg9 : memref<256x128xf32, #tpu.memory_space<vmem>>)
    %add3A_16 = arith.constant 0 : i32
    %add3A_17 = arith.addi %mul3A_2, %add3A_16 : i32
    %dma_start3A_18 = arith.constant 0 : i32
    %dma_start3A_19 = tpu.memref_slice %arg6[%add3A_17, %dma_start3A_18] : memref<16384x256xf32, #tpu.memory_space<hbm>> -> memref<256x128xf32, #tpu.memory_space<hbm>>
    %dma_start3A_20 = arith.constant 0 : i32
    %dma_start3A_21 = tpu.memref_slice %arg6[%add3A_17, %dma_start3A_20] : memref<16384x256xf32, #tpu.memory_space<hbm>> -> memref<256x128xf32, #tpu.memory_space<hbm>>
    tpu.enqueue_dma source(%arg9 : memref<256x128xf32, #tpu.memory_space<vmem>>) target(%dma_start3A_21 : memref<256x128xf32, #tpu.memory_space<hbm>>) target_semaphore(%arg13 : memref<!tpu.dma_semaphore, #tpu.memory_space<semaphore_mem>>)
    %dma_wait3A_22 = arith.constant 0 : i32
    %dma_wait3A_23 = tpu.memref_slice %arg6[%add3A_17, %dma_wait3A_22] : memref<16384x256xf32, #tpu.memory_space<hbm>> -> memref<256x128xf32, #tpu.memory_space<hbm>>
    %dma_wait3A_24 = arith.constant 0 : i32
    %dma_wait3A_25 = tpu.memref_slice %arg6[%add3A_17, %dma_wait3A_24] : memref<16384x256xf32, #tpu.memory_space<hbm>> -> memref<256x128xf32, #tpu.memory_space<hbm>>
    tpu.wait_dma2 semaphore(%arg13 : memref<!tpu.dma_semaphore, #tpu.memory_space<semaphore_mem>>) src(%arg9 : memref<256x128xf32, #tpu.memory_space<vmem>>) dst(%dma_wait3A_25 : memref<256x128xf32, #tpu.memory_space<hbm>>)
    %dma_start3A_26 = arith.constant 0 : i32
    %dma_start3A_27 = tpu.memref_slice %arg8[%dma_start3A_26] : memref<512xi32, #tpu.memory_space<vmem>> -> memref<256xi32, #tpu.memory_space<vmem>>
    %dma_start3A_28 = arith.constant 0 : i32
    %dma_start3A_29 = arith.constant 0 : i32
    %dma_start3A_30 = tpu.memref_slice %arg3[%dma_start3A_28, %dma_start3A_29] : memref<100000x128xf32, #tpu.memory_space<hbm>> -> memref<100000x128xf32, #tpu.memory_space<hbm>>
    tpu.enqueue_indirect_dma source(%dma_start3A_30 : memref<100000x128xf32, #tpu.memory_space<hbm>>) target(%arg9 : memref<256x128xf32, #tpu.memory_space<vmem>>) offsets(%dma_start3A_27 : memref<256xi32, #tpu.memory_space<vmem>>) semaphore(%arg11 : memref<!tpu.dma_semaphore, #tpu.memory_space<semaphore_mem>>)
    %dma_wait3A_31 = arith.constant 256 : i32
    %dma_wait3A_32 = tpu.memref_slice %arg7[%dma_wait3A_31] : memref<512xi32, #tpu.memory_space<vmem>> -> memref<256xi32, #tpu.memory_space<vmem>>
    %dma_wait3A_33 = arith.constant 0 : i32
    %dma_wait3A_34 = arith.constant 0 : i32
    %dma_wait3A_35 = tpu.memref_slice %arg2[%dma_wait3A_33, %dma_wait3A_34] : memref<100000x128xf32, #tpu.memory_space<hbm>> -> memref<100000x128xf32, #tpu.memory_space<hbm>>
    tpu.wait_indirect_dma semaphore(%arg12 : memref<!tpu.dma_semaphore, #tpu.memory_space<semaphore_mem>>) src(%dma_wait3A_35 : memref<100000x128xf32, #tpu.memory_space<hbm>>) dst(%arg10 : memref<256x128xf32, #tpu.memory_space<vmem>>)
    %add3A_36 = arith.constant 256 : i32
    %add3A_37 = arith.addi %mul3A_2, %add3A_36 : i32
    %dma_start3A_38 = arith.constant 0 : i32
    %dma_start3A_39 = tpu.memref_slice %arg6[%add3A_37, %dma_start3A_38] : memref<16384x256xf32, #tpu.memory_space<hbm>> -> memref<256x128xf32, #tpu.memory_space<hbm>>
    %dma_start3A_40 = arith.constant 0 : i32
    %dma_start3A_41 = tpu.memref_slice %arg6[%add3A_37, %dma_start3A_40] : memref<16384x256xf32, #tpu.memory_space<hbm>> -> memref<256x128xf32, #tpu.memory_space<hbm>>
    tpu.enqueue_dma source(%arg10 : memref<256x128xf32, #tpu.memory_space<vmem>>) target(%dma_start3A_41 : memref<256x128xf32, #tpu.memory_space<hbm>>) target_semaphore(%arg14 : memref<!tpu.dma_semaphore, #tpu.memory_space<semaphore_mem>>)
    %dma_wait3A_42 = arith.constant 0 : i32
    %dma_wait3A_43 = tpu.memref_slice %arg6[%add3A_37, %dma_wait3A_42] : memref<16384x256xf32, #tpu.memory_space<hbm>> -> memref<256x128xf32, #tpu.memory_space<hbm>>
    %dma_wait3A_44 = arith.constant 0 : i32
    %dma_wait3A_45 = tpu.memref_slice %arg6[%add3A_37, %dma_wait3A_44] : memref<16384x256xf32, #tpu.memory_space<hbm>> -> memref<256x128xf32, #tpu.memory_space<hbm>>
    tpu.wait_dma2 semaphore(%arg14 : memref<!tpu.dma_semaphore, #tpu.memory_space<semaphore_mem>>) src(%arg10 : memref<256x128xf32, #tpu.memory_space<vmem>>) dst(%dma_wait3A_45 : memref<256x128xf32, #tpu.memory_space<hbm>>)
    %dma_start3A_46 = arith.constant 256 : i32
    %dma_start3A_47 = tpu.memref_slice %arg8[%dma_start3A_46] : memref<512xi32, #tpu.memory_space<vmem>> -> memref<256xi32, #tpu.memory_space<vmem>>
    %dma_start3A_48 = arith.constant 0 : i32
    %dma_start3A_49 = arith.constant 0 : i32
    %dma_start3A_50 = tpu.memref_slice %arg3[%dma_start3A_48, %dma_start3A_49] : memref<100000x128xf32, #tpu.memory_space<hbm>> -> memref<100000x128xf32, #tpu.memory_space<hbm>>
    tpu.enqueue_indirect_dma source(%dma_start3A_50 : memref<100000x128xf32, #tpu.memory_space<hbm>>) target(%arg10 : memref<256x128xf32, #tpu.memory_space<vmem>>) offsets(%dma_start3A_47 : memref<256xi32, #tpu.memory_space<vmem>>) semaphore(%arg12 : memref<!tpu.dma_semaphore, #tpu.memory_space<semaphore_mem>>)
    %dma_wait3A_51 = arith.constant 0 : i32
    %dma_wait3A_52 = tpu.memref_slice %arg8[%dma_wait3A_51] : memref<512xi32, #tpu.memory_space<vmem>> -> memref<256xi32, #tpu.memory_space<vmem>>
    %dma_wait3A_53 = arith.constant 0 : i32
    %dma_wait3A_54 = arith.constant 0 : i32
    %dma_wait3A_55 = tpu.memref_slice %arg3[%dma_wait3A_53, %dma_wait3A_54] : memref<100000x128xf32, #tpu.memory_space<hbm>> -> memref<100000x128xf32, #tpu.memory_space<hbm>>
    tpu.wait_indirect_dma semaphore(%arg11 : memref<!tpu.dma_semaphore, #tpu.memory_space<semaphore_mem>>) src(%dma_wait3A_55 : memref<100000x128xf32, #tpu.memory_space<hbm>>) dst(%arg9 : memref<256x128xf32, #tpu.memory_space<vmem>>)
    %add3A_56 = arith.constant 0 : i32
    %add3A_57 = arith.addi %mul3A_2, %add3A_56 : i32
    %dma_start3A_58 = arith.constant 128 : i32
    %dma_start3A_59 = tpu.memref_slice %arg6[%add3A_57, %dma_start3A_58] : memref<16384x256xf32, #tpu.memory_space<hbm>> -> memref<256x128xf32, #tpu.memory_space<hbm>>
    %dma_start3A_60 = arith.constant 128 : i32
    %dma_start3A_61 = tpu.memref_slice %arg6[%add3A_57, %dma_start3A_60] : memref<16384x256xf32, #tpu.memory_space<hbm>> -> memref<256x128xf32, #tpu.memory_space<hbm>>
    tpu.enqueue_dma source(%arg9 : memref<256x128xf32, #tpu.memory_space<vmem>>) target(%dma_start3A_61 : memref<256x128xf32, #tpu.memory_space<hbm>>) target_semaphore(%arg13 : memref<!tpu.dma_semaphore, #tpu.memory_space<semaphore_mem>>)
    %dma_wait3A_62 = arith.constant 256 : i32
    %dma_wait3A_63 = tpu.memref_slice %arg8[%dma_wait3A_62] : memref<512xi32, #tpu.memory_space<vmem>> -> memref<256xi32, #tpu.memory_space<vmem>>
    %dma_wait3A_64 = arith.constant 0 : i32
    %dma_wait3A_65 = arith.constant 0 : i32
    %dma_wait3A_66 = tpu.memref_slice %arg3[%dma_wait3A_64, %dma_wait3A_65] : memref<100000x128xf32, #tpu.memory_space<hbm>> -> memref<100000x128xf32, #tpu.memory_space<hbm>>
    tpu.wait_indirect_dma semaphore(%arg12 : memref<!tpu.dma_semaphore, #tpu.memory_space<semaphore_mem>>) src(%dma_wait3A_66 : memref<100000x128xf32, #tpu.memory_space<hbm>>) dst(%arg10 : memref<256x128xf32, #tpu.memory_space<vmem>>)
    %dma_wait3A_67 = arith.constant 128 : i32
    %dma_wait3A_68 = tpu.memref_slice %arg6[%add3A_57, %dma_wait3A_67] : memref<16384x256xf32, #tpu.memory_space<hbm>> -> memref<256x128xf32, #tpu.memory_space<hbm>>
    %dma_wait3A_69 = arith.constant 128 : i32
    %dma_wait3A_70 = tpu.memref_slice %arg6[%add3A_57, %dma_wait3A_69] : memref<16384x256xf32, #tpu.memory_space<hbm>> -> memref<256x128xf32, #tpu.memory_space<hbm>>
    tpu.wait_dma2 semaphore(%arg13 : memref<!tpu.dma_semaphore, #tpu.memory_space<semaphore_mem>>) src(%arg9 : memref<256x128xf32, #tpu.memory_space<vmem>>) dst(%dma_wait3A_70 : memref<256x128xf32, #tpu.memory_space<hbm>>)
    %add3A_71 = arith.constant 256 : i32
    %add3A_72 = arith.addi %mul3A_2, %add3A_71 : i32
    %dma_start3A_73 = arith.constant 128 : i32
    %dma_start3A_74 = tpu.memref_slice %arg6[%add3A_72, %dma_start3A_73] : memref<16384x256xf32, #tpu.memory_space<hbm>> -> memref<256x128xf32, #tpu.memory_space<hbm>>
    %dma_start3A_75 = arith.constant 128 : i32
    %dma_start3A_76 = tpu.memref_slice %arg6[%add3A_72, %dma_start3A_75] : memref<16384x256xf32, #tpu.memory_space<hbm>> -> memref<256x128xf32, #tpu.memory_space<hbm>>
    tpu.enqueue_dma source(%arg10 : memref<256x128xf32, #tpu.memory_space<vmem>>) target(%dma_start3A_76 : memref<256x128xf32, #tpu.memory_space<hbm>>) target_semaphore(%arg14 : memref<!tpu.dma_semaphore, #tpu.memory_space<semaphore_mem>>)
    %dma_wait3A_77 = arith.constant 128 : i32
    %dma_wait3A_78 = tpu.memref_slice %arg6[%add3A_72, %dma_wait3A_77] : memref<16384x256xf32, #tpu.memory_space<hbm>> -> memref<256x128xf32, #tpu.memory_space<hbm>>
    %dma_wait3A_79 = arith.constant 128 : i32
    %dma_wait3A_80 = tpu.memref_slice %arg6[%add3A_72, %dma_wait3A_79] : memref<16384x256xf32, #tpu.memory_space<hbm>> -> memref<256x128xf32, #tpu.memory_space<hbm>>
    tpu.wait_dma2 semaphore(%arg14 : memref<!tpu.dma_semaphore, #tpu.memory_space<semaphore_mem>>) src(%arg10 : memref<256x128xf32, #tpu.memory_space<vmem>>) dst(%dma_wait3A_80 : memref<256x128xf32, #tpu.memory_space<hbm>>)
    return
  }
}

module attributes {stable_mosaic.version = 14 : i64} {
  func.func @_mlp_body(%arg0: i32, %arg1: memref<8192x256xf32, #tpu.memory_space<vmem>>, %arg2: memref<256x64xf32, #tpu.memory_space<vmem>>, %arg3: memref<1x64xf32, #tpu.memory_space<vmem>>, %arg4: memref<64x32xf32, #tpu.memory_space<vmem>>, %arg5: memref<1x32xf32, #tpu.memory_space<vmem>>, %arg6: memref<1x32xf32, #tpu.memory_space<vmem>>, %arg7: memref<1x1xf32, #tpu.memory_space<vmem>>, %arg8: memref<1x1x8192xf32, #tpu.memory_space<vmem>>) attributes {dimension_semantics = [#tpu.dimension_semantics<arbitrary>], iteration_bounds = array<i64: 2>, scalar_prefetch = 0 : i64, scratch_operands = 0 : i64, tpu.core_type = #tpu.core_type<tc>, window_params = [{transform_indices = @transform_0, window_bounds = array<i64: 8192, 256>}, {pipeline_mode = #tpu.pipeline_mode<synchronous>, transform_indices = @transform_1, window_bounds = array<i64: 256, 64>}, {pipeline_mode = #tpu.pipeline_mode<synchronous>, transform_indices = @transform_2, window_bounds = array<i64: 1, 64>}, {pipeline_mode = #tpu.pipeline_mode<synchronous>, transform_indices = @transform_3, window_bounds = array<i64: 64, 32>}, {pipeline_mode = #tpu.pipeline_mode<synchronous>, transform_indices = @transform_4, window_bounds = array<i64: 1, 32>}, {pipeline_mode = #tpu.pipeline_mode<synchronous>, transform_indices = @transform_5, window_bounds = array<i64: 1, 32>}, {pipeline_mode = #tpu.pipeline_mode<synchronous>, transform_indices = @transform_6, window_bounds = array<i64: 1, 1>}, {transform_indices = @transform_7, window_bounds = array<i64: 1, 1, 8192>}]} {
    %get3A = arith.constant 0 : index
    %get3A_0 = arith.constant 0 : index
    %get3A_1 = vector.load %arg1[%get3A, %get3A_0] : memref<8192x256xf32, #tpu.memory_space<vmem>>, vector<8192x256xf32>
    %get3A_2 = arith.constant 0 : index
    %get3A_3 = arith.constant 0 : index
    %get3A_4 = vector.load %arg2[%get3A_2, %get3A_3] : memref<256x64xf32, #tpu.memory_space<vmem>>, vector<256x64xf32>
    %dot_general3A = arith.constant dense<0.000000e+00> : vector<8192x64xf32>
    %dot_general3A_5 = tpu.matmul %get3A_1, %get3A_4, %dot_general3A {dimension_numbers = #tpu.dot_dimension_numbers<[1], [0], [0], [1], [0, 0, 1, 1], [], []>, transpose_lhs_hint = false} : vector<8192x256xf32>, vector<256x64xf32>, vector<8192x64xf32> -> vector<8192x64xf32>
    %get3A_6 = arith.constant 0 : index
    %get3A_7 = arith.constant 0 : index
    %get3A_8 = vector.load %arg3[%get3A_6, %get3A_7] : memref<1x64xf32, #tpu.memory_space<vmem>>, vector<1x64xf32>
    %add3A = vector.broadcast %get3A_8 : vector<1x64xf32> to vector<8192x64xf32>
    %add3A_9 = arith.addf %dot_general3A_5, %add3A : vector<8192x64xf32>
    %max3A = arith.constant 0.000000e+00 : f32
    %max3A_10 = vector.broadcast %max3A : f32 to vector<8192x64xf32>
    %max3A_11 = arith.maximumf %add3A_9, %max3A_10 : vector<8192x64xf32>
    %get3A_12 = arith.constant 0 : index
    %get3A_13 = arith.constant 0 : index
    %get3A_14 = vector.load %arg4[%get3A_12, %get3A_13] : memref<64x32xf32, #tpu.memory_space<vmem>>, vector<64x32xf32>
    %dot_general3A_15 = arith.constant dense<0.000000e+00> : vector<8192x32xf32>
    %dot_general3A_16 = tpu.matmul %max3A_11, %get3A_14, %dot_general3A_15 {dimension_numbers = #tpu.dot_dimension_numbers<[1], [0], [0], [1], [0, 0, 1, 1], [], []>, transpose_lhs_hint = false} : vector<8192x64xf32>, vector<64x32xf32>, vector<8192x32xf32> -> vector<8192x32xf32>
    %get3A_17 = arith.constant 0 : index
    %get3A_18 = arith.constant 0 : index
    %get3A_19 = vector.load %arg5[%get3A_17, %get3A_18] : memref<1x32xf32, #tpu.memory_space<vmem>>, vector<1x32xf32>
    %add3A_20 = vector.broadcast %get3A_19 : vector<1x32xf32> to vector<8192x32xf32>
    %add3A_21 = arith.addf %dot_general3A_16, %add3A_20 : vector<8192x32xf32>
    %max3A_22 = arith.constant 0.000000e+00 : f32
    %max3A_23 = vector.broadcast %max3A_22 : f32 to vector<8192x32xf32>
    %max3A_24 = arith.maximumf %add3A_21, %max3A_23 : vector<8192x32xf32>
    %get3A_25 = arith.constant 0 : index
    %get3A_26 = arith.constant 0 : index
    %get3A_27 = vector.load %arg6[%get3A_25, %get3A_26] : memref<1x32xf32, #tpu.memory_space<vmem>>, vector<1x32xf32>
    %dot_general3A_28 = arith.constant dense<0.000000e+00> : vector<1x8192xf32>
    %dot_general3A_29 = tpu.matmul %get3A_27, %max3A_24, %dot_general3A_28 {dimension_numbers = #tpu.dot_dimension_numbers<[1], [1], [0], [0], [0, 0, 1, 0], [], []>, transpose_lhs_hint = false} : vector<1x32xf32>, vector<8192x32xf32>, vector<1x8192xf32> -> vector<1x8192xf32>
    %get3A_30 = arith.constant 0 : index
    %get3A_31 = arith.constant 0 : index
    %get3A_32 = vector.load %arg7[%get3A_30, %get3A_31] : memref<1x1xf32, #tpu.memory_space<vmem>>, vector<1x1xf32>
    %add3A_33 = vector.broadcast %get3A_32 : vector<1x1xf32> to vector<1x8192xf32>
    %add3A_34 = arith.addf %dot_general3A_29, %add3A_33 : vector<1x8192xf32>
    %logistic3A = arith.negf %add3A_34 : vector<1x8192xf32>
    %logistic3A_35 = math.exp %logistic3A : vector<1x8192xf32>
    %logistic3A_36 = arith.constant 1.000000e+00 : f32
    %logistic3A_37 = vector.broadcast %logistic3A_36 : f32 to vector<1x8192xf32>
    %logistic3A_38 = arith.addf %logistic3A_37, %logistic3A_35 : vector<1x8192xf32>
    %logistic3A_39 = arith.divf %logistic3A_37, %logistic3A_38 : vector<1x8192xf32>
    %broadcast_in_dim3A = vector.shape_cast %logistic3A_39 : vector<1x8192xf32> to vector<1x1x8192xf32>
    %swap3A = arith.constant 0 : index
    %swap3A_40 = arith.constant 0 : index
    %swap3A_41 = arith.constant 0 : index
    %swap3A_42 = vector.load %arg8[%swap3A, %swap3A_40, %swap3A_41] : memref<1x1x8192xf32, #tpu.memory_space<vmem>>, vector<1x1x8192xf32>
    tpu.vector_store %arg8[%swap3A, %swap3A_40, %swap3A_41], %broadcast_in_dim3A {strides = array<i32>} : memref<1x1x8192xf32, #tpu.memory_space<vmem>>, vector<1x1x8192xf32>,
    return
  }
  func.func @transform_0(%arg0: i32) -> (i32, i32) {
    %c0_i32 = arith.constant 0 : i32
    %c0_i32_0 = arith.constant 0 : i32
    return %arg0, %c0_i32 : i32, i32
  }
  func.func @transform_1(%arg0: i32) -> (i32, i32) {
    %c0_i32 = arith.constant 0 : i32
    %c0_i32_0 = arith.constant 0 : i32
    %c0_i32_1 = arith.constant 0 : i32
    return %c0_i32, %c0_i32_0 : i32, i32
  }
  func.func @transform_2(%arg0: i32) -> (i32, i32) {
    %c0_i32 = arith.constant 0 : i32
    %c0_i32_0 = arith.constant 0 : i32
    %c0_i32_1 = arith.constant 0 : i32
    return %c0_i32, %c0_i32_0 : i32, i32
  }
  func.func @transform_3(%arg0: i32) -> (i32, i32) {
    %c0_i32 = arith.constant 0 : i32
    %c0_i32_0 = arith.constant 0 : i32
    %c0_i32_1 = arith.constant 0 : i32
    return %c0_i32, %c0_i32_0 : i32, i32
  }
  func.func @transform_4(%arg0: i32) -> (i32, i32) {
    %c0_i32 = arith.constant 0 : i32
    %c0_i32_0 = arith.constant 0 : i32
    %c0_i32_1 = arith.constant 0 : i32
    return %c0_i32, %c0_i32_0 : i32, i32
  }
  func.func @transform_5(%arg0: i32) -> (i32, i32) {
    %c0_i32 = arith.constant 0 : i32
    %c0_i32_0 = arith.constant 0 : i32
    %c0_i32_1 = arith.constant 0 : i32
    return %c0_i32, %c0_i32_0 : i32, i32
  }
  func.func @transform_6(%arg0: i32) -> (i32, i32) {
    %c0_i32 = arith.constant 0 : i32
    %c0_i32_0 = arith.constant 0 : i32
    %c0_i32_1 = arith.constant 0 : i32
    return %c0_i32, %c0_i32_0 : i32, i32
  }
  func.func @transform_7(%arg0: i32) -> (i32, i32, i32) {
    %c0_i32 = arith.constant 0 : i32
    %c0_i32_0 = arith.constant 0 : i32
    %c0_i32_1 = arith.constant 0 : i32
    return %arg0, %c0_i32, %c0_i32_0 : i32, i32, i32
  }
}

</mosaic_0001>

<sc_bundles>
// kernel: kernel.4.cloned.1.call-start
scs
__scs_entry_jumppad:
0x0: {  	(pc) =	sbr.rel $0x88, $3  }
0x1: {  	(tag) =	ssettag $0x0;
	lr =	simm.s32 $0x1  }
0x2: {  	[smem:$0x3F97] =	sst lr;
	_ =	strace $0xD0000000  }
0x3: {  	_ = 	snop  }
0x4: {  	_ = 	snop  }
0x5: {  	_ = 	snop  }
0x6: {  	_ = 	snop  }
0x7: {  	_ = 	snop  }
__scs_overlays_trampoline_lowered:
0x8: {  	[smem:$0x3FA6] =	sst s0  }
0x9: {  	[smem:$0x3FA7] =	sst s1  }
0xa: {  	[smem:$0x3FA8] =	sst s2  }
0xb: {  	[smem:$0x3FA9] =	sst s3  }
0xc: {  	[smem:$0x3FAA] =	sst s4  }
0xd: {  	[smem:$0x3FAB] =	sst s5  }
0xe: {  	[smem:$0x3FAC] =	sst s6  }
0xf: {  	[smem:$0x3FAD] =	sst s7  }
0x10: {  	[smem:$0x3FAE] =	sst s8  }
0x11: {  	[smem:$0x3FAF] =	sst s9;
	s0 =	simm.s32 @!p0 $0x0  }
0x12: {  	s1 =	sld [smem:$0x3F95];
	s0 =	simm.s32 @p0 $0x1  }
0x13: {  	[smem:$0x3FB0] =	sst s0;
	s0 =	simm.s32 @!p1 $0x0  }
0x14: {  	s2 =	sld [smem:$0x3F94];
	s0 =	simm.s32 @p1 $0x1  }
0x15: {  	[smem:$0x3FB1] =	sst s0;
	s0 =	simm.s32 @!p2 $0x0  }
0x16: {  	s3 =	sld [smem:$0x3FDB];
	s0 =	simm.s32 @p2 $0x1  }
0x17: {  	s4 =	simm.s32 $0x1BF5;
	[smem:$0x3FB3] =	sst s0  }
0x18: {  	s0 =	sld [smem:$0x3F96];
	_ =	swait.ge [sflag:s4], $0x0  }
0x19: {  	s7 =	sld [smem:$0x3F97]  }
0x1a: {  	s8 =	sadd.s32 $0xFFFFE003, lr  }
0x1b: {  	s9 =	sadd.s32 $0xFFFFFEF7, lr;
	s5 =	simm.s32 $0xFFFFFFFF;
	p2 =	slt.u32 s8, $0xFFFFF086  }
0x1c: {  	p1 =	slt.u32 s9, $0xF7A;
	s5 =	simm.s32 @!p2 $0x0  }
0x1d: {  	s5 =	simm.s32 @p1 $0x1;
	p0 =	seq.s32 s7, s2  }
0x1e: {  	s7 =	smul.u32 @!p0 $0xF7A, s2;
	p2 =	seq.s32 @!p0 s5, $0x0  }
0x1f: {  	s9 =	smul.u32 $0xF7A, s1;
	s8 =	simm.s32 @!p0 $0x1BF5;
	p2 =	por !p2, p0  }
0x20: {  	[sflag:s8] =	ssyncset.s32 @!p0 $0xFFFFF086;
	s6 =	sadd.s32 @!p0 s3, s7;
	s7 =	simm.s32 @!p0 $0x108  }
0x21: {  	s3 =	sadd.s32 s3, s9;
	s6 =	sadd.s32 @!p0 $0x88, s6;
	s7 =	simm.s32 @p2 $0x1082  }
0x22: {  	[simem:s7], [sflag:s8] =	dma.local @!p0 [hbm:s6], $0xF7A  }
0x23: {  	s9 =	sor.u32 $0xD0000000, s2;
	s6 =	simm.s32 $0x108;
	_ =	swait.ge @!p0 [sflag:s8], $0x0  }
0x24: {  	s3 =	sadd.s32 $0x88, s3;
	s6 =	simm.s32 @!p1 $0x1082;
	[sflag:s4] =	ssyncset.s32 $0xFFFFF086  }
0x25: {  	[simem:s6], [sflag:s4] =	dma.local [hbm:s3], $0xF7A  }
0x26: {  	[smem:$0x3F97] =	sst s1;
	(tag) =	ssettag s2;
	_ =	strace s9  }
0x27: {  	s1 =	sld [smem:$0x3FA7]  }
0x28: {  	s2 =	sld [smem:$0x3FA8]  }
0x29: {  	s4 =	sld [smem:$0x3FAA]  }
0x2a: {  	p0 =	seq.s32 s5, $0x0;
	s5 =	sld [smem:$0x3FAB]  }
0x2b: {  	s6 =	sld [smem:$0x3FAC]  }
0x2c: {  	s7 =	sld [smem:$0x3FAD]  }
0x2d: {  	s3 =	simm.s32 $0x108;
	s8 =	sld [smem:$0x3FAE]  }
0x2e: {  	s3 =	simm.s32 @!p0 $0x1082;
	s9 =	sld [smem:$0x3FAF]  }
0x2f: {  	lr =	sadd.s32 s0, s3;
	s0 =	sld [smem:$0x3FA6]  }
0x30: {  	s3 =	sld [smem:$0x3FA9]  }
0x31: {  	[smem:$0x3FB2] =	sst s10  }
0x32: {  	s10 =	sld [smem:$0x3FB0];
	_ =	sdelay $0x3  }
0x33: {  	p0 =	seq.s32 s10, $0x1;
	s10 =	sld [smem:$0x3FB2];
	_ =	sdelay $0x3  }
0x34: {  	[smem:$0x3FB2] =	sst s10  }
0x35: {  	s10 =	sld [smem:$0x3FB1];
	_ =	sdelay $0x3  }
0x36: {  	p1 =	seq.s32 s10, $0x1;
	s10 =	sld [smem:$0x3FB2];
	_ =	sdelay $0x3  }
0x37: {  	[smem:$0x3FB2] =	sst s10  }
0x38: {  	s10 =	sld [smem:$0x3FB3]  }
0x39: {  	_ = 	snop;
	(pc) =	sbr.ind lr, $3  }
0x3a: {  	_ = 	snop  }
0x3b: {  	_ = 	snop  }
0x3c: {  	p2 =	seq.s32 s10, $0x1;
	s10 =	sld [smem:$0x3FB2]  }
0x3d: {  	_ =	shalt  }
0x3e: {  	_ =	shalt  }
0x3f: {  	_ =	shalt  }
0x40: {  	_ =	shalt  }
0x41: {  	_ =	shalt  }
0x42: {  	_ =	shalt  }
0x43: {  	_ =	shalt  }
0x44: {  	_ =	shalt  }
0x45: {  	_ =	shalt  }
0x46: {  	_ =	shalt  }
0x47: {  	_ =	shalt  }
0x48: {  	_ =	shalt  }
0x49: {  	_ =	shalt  }
0x4a: {  	_ =	shalt  }
0x4b: {  	_ =	shalt  }
0x4c: {  	_ =	shalt  }
0x4d: {  	_ =	shalt  }
0x4e: {  	_ =	shalt  }
0x4f: {  	_ =	shalt  }
0x50: {  	_ =	shalt  }
0x51: {  	_ =	shalt  }
0x52: {  	_ =	shalt  }
0x53: {  	_ =	shalt  }
0x54: {  	_ =	shalt  }
0x55: {  	_ =	shalt  }
0x56: {  	_ =	shalt  }
0x57: {  	_ =	shalt  }
0x58: {  	_ =	shalt  }
0x59: {  	_ =	shalt  }
0x5a: {  	_ =	shalt  }
0x5b: {  	_ =	shalt  }
0x5c: {  	_ =	shalt  }
0x5d: {  	_ =	shalt  }
0x5e: {  	_ =	shalt  }
0x5f: {  	_ =	shalt  }
0x60: {  	_ =	shalt  }
0x61: {  	_ =	shalt  }
0x62: {  	_ =	shalt  }
0x63: {  	_ =	shalt  }
0x64: {  	_ =	shalt  }
0x65: {  	_ =	shalt  }
0x66: {  	_ =	shalt  }
0x67: {  	_ =	shalt  }
0x68: {  	_ =	shalt  }
0x69: {  	_ =	shalt  }
0x6a: {  	_ =	shalt  }
0x6b: {  	_ =	shalt  }
0x6c: {  	_ =	shalt  }
0x6d: {  	_ =	shalt  }
0x6e: {  	_ =	shalt  }
0x6f: {  	_ =	shalt  }
0x70: {  	_ =	shalt  }
0x71: {  	_ =	shalt  }
0x72: {  	_ =	shalt  }
0x73: {  	_ =	shalt  }
0x74: {  	_ =	shalt  }
0x75: {  	_ =	shalt  }
0x76: {  	_ =	shalt  }
0x77: {  	_ =	shalt  }
0x78: {  	_ =	shalt  }
0x79: {  	_ =	shalt  }
0x7a: {  	_ =	shalt  }
0x7b: {  	_ =	shalt  }
0x7c: {  	_ =	shalt  }
0x7d: {  	_ =	shalt  }
0x7e: {  	_ =	shalt  }
0x7f: {  	_ =	shalt  }
0x80: {  	_ =	shalt  }
0x81: {  	_ =	shalt  }
0x82: {  	_ =	shalt  }
0x83: {  	_ =	shalt  }
0x84: {  	_ =	shalt  }
0x85: {  	_ =	shalt  }
0x86: {  	_ =	shalt  }
0x87: {  	_ =	shalt  }
.Lfunc_end0:
.L_simem_size_0:
called_computation_lowered:
.L_overlay_start_0:
0x88: {  	s2 =	sld [smem:$0x3FD9]  }
0x89: {  	s3 =	sld [smem:$0x3FFE];
	_ =	sdelay $0x1  }
0x8a: {  	s1 =	srdreg.scid  }
0x8b: {  	s0 =	sand.u32 $0x1, s1  }
0x8c: {  	s17 =	sshll.u32 s0, $0xA;
	s2 =	sadd.s32 s3, s2  }
0x8d: {  	s2 =	sadd.s32 s2, s17  }
0x8e: {  	[smem:$0x3FBE] =	sst s2  }
0x8f: {  	_ = 	snop  }
0x90: {  	s2 =	sld [smem:$0x3FC9]  }
0x91: {  	s18 =	sld [smem:$0x3FC8]  }
0x92: {  	s4 =	sld [smem:$0x3FC7]  }
0x93: {  	s5 =	sld [smem:$0x3FC6];
	(tm) =	ssettm $0x1  }
0x94: {  	s6 =	sld [smem:$0x3FFB];
	_ =	sdelay $0x3  }
0x95: {  	_ =	strace s6  }
0x96: {  	s6 =	sld [smem:$0x3FFC];
	_ =	sdelay $0x3  }
0x97: {  	_ =	strace s6  }
0x98: {  	s6 =	sld [smem:$0x3FFD];
	_ =	sdelay $0x3  }
0x99: {  	_ =	strace s6  }
0x9a: {  	_ =	strace $0x8FFFFFFF  }
0x9b: {  	s19 =	sld [smem:$0x3FDB];
	_ =	sdelay $0x1  }
0x9c: {  	s7 =	simm.s32 $_scs_section_size  }
0x9d: {  	s8 =	simm.s32 $_size__tile_overlayer_lowered;
	s9 =	simm.s32 $_tile_overlayer_lowered  }
0x9e: {  	s22 =	simm.s32 $0x1BFF;
	s21 =	sshll.u32 s9, $0x1;
	s6 =	sadd.s32 s7, s19  }
0x9f: {  	s10 =	simm.s32 $0x0;
	s20 =	sshll.u32 s8, $0x1;
	s8 =	sadd.s32 s21, s6  }
0xa0: {  	[timem:s10], [sflag:s22] =	dma.local [hbm:s8], s20  }
0xa1: {  	_ =	swait.ge [sflag:s22], s20  }
0xa2: {  	s7 =	ssub.s32 $0x0, s20;
	[sflag:s22] =	ssyncset.done $0x0  }
0xa3: {  	[sflag:s22] =	ssyncadd.s32 s7;
	_ =	sdelay $0x1  }
0xa4: {  	s23 =	simm.s32 $0x1B8B  }
0xa5: {  	_ =	swait.ge [sflag:s23], $0x1  }
0xa6: {  	[sflag:s23] =	ssyncset.done $0x0  }
0xa7: {  	s25 =	simm.s32 $0x1B8E;
	s24 =	sld [smem:$0x3FFE];
	[sflag:s23] =	ssyncadd.s32 $0xFFFFFFFF  }
0xa8: {  	s26 =	simm.s32 $execute0_lowered;
	[smem:$0x3FD2] =	sst s25  }
0xa9: {  	s8 =	sshll.u32 s26, $0x1;
	_ =	strace $0x80000046;
	[dreg:$0x1] =	wrdreg $0xFFFFFFFF  }
0xaa: {  	s28 =	simm.s32 $_size_execute0_lowered;
	s6 =	sadd.s32 s6, s8;
	[dreg:$0x0] =	wrdreg $0x0  }
0xab: {  	s8 =	sshll.u32 s28, $0x1;
	[dreg:$0x2] =	wrdreg s6  }
0xac: {  	[dreg:$0x3] =	wrdreg s8  }
0xad: {  	[dreg:$0x4] =	wrdreg $0xC0  }
0xae: {  	_ =	task [dreg:s10], $0x5FFFF  }
0xaf: {  	[dreg:$0x1] =	wrdreg $0xFFFFFFFF  }
0xb0: {  	[dreg:$0x0] =	wrdreg $0x60  }
0xb1: {  	[dreg:$0x2] =	wrdreg s4  }
0xb2: {  	[dreg:$0x3] =	wrdreg s5  }
0xb3: {  	[dreg:$0x4] =	wrdreg s2  }
0xb4: {  	[dreg:$0x5] =	wrdreg s18  }
0xb5: {  	[dreg:$0x6] =	wrdreg s24  }
0xb6: {  	[dreg:$0x7] =	wrdreg $0x9  }
0xb7: {  	_ =	task.clear_ibuf [dreg:s10], $0x8FFFF;
	_ =	strace $0x90000046  }
0xb8: {  	s29 =	simm.s32 $0x9;
	_ =	strace $0x80000048  }
0xb9: {  	_ =	swait.ge [sflag:s29], $0x1  }
0xba: {  	[sflag:s29] =	ssyncadd.s32 $0xFFFFFFFF  }
0xbb: {  	_ =	strace $0x90000048  }
0xbc: {  	_ =	sfence  }
0xbd: {  	s30 =	sld [smem:$0x0];
	_ =	sdelay $0x2  }
0xbe: {  	s31 =	sshll.u32 s1, $0xD;
	s1 =	sshrl.u32 s1, $0x2  }
0xbf: {  	s3 =	sand.u32 $0x4000, s31;
	s1 =	sadd.s32 s1, s30  }
0xc0: {  	s0 =	sor.u32 s3, s0;
	s1 =	sshll.u32 s1, $0x11  }
0xc1: {  	s0 =	sor.u32 s1, s0  }
0xc2: {  	s0 =	sadd.s32 $0x8F2B, s0  }
0xc3: {  	[sflag:s0] =	ssyncadd.remote.s32 $0x1  }
0xc4: {  	_ =	sfence.sel $0xFFFF  }
0xc5: {  	[dreg:$0x0] =	wrdreg $0xFFFFFFFF;
	(pc) =	sbr.abs _section_cstart, $3  }
0xc6: {  	[dreg:$0x1] =	wrdreg $0xFFFFFFFF  }
0xc7: {  	_ =	task.clear_ibuf [dreg:s10], $0x2FFFF;
	_ =	strace $0x9FFFFFFF  }
0xc8: {  	(tm) =	ssettm $0x7FFFFFFF  }
0xc9: {  	_ =	shalt  }
tec
execute0_lowered:
.L_overlay_start_1:
0x0: {  	(tag) =	ssettag $0x1  }
0x1: {  	s1 =	rddreg [dreg:$0x0]  }
0x2: {  	s2 =	rddreg [dreg:$0x1]  }
0x3: {  	s5 =	rddreg [dreg:$0x2];
	s3 =	srdreg.scid  }
0x4: {  	s7 =	rddreg [dreg:$0x3];
	s0 =	stileid.u32;
	s21 =	sand.u32 $0x1, s3  }
0x5: {  	s13 =	rddreg [dreg:$0x4];
	s6 =	sshll.u32 s0, $0xA;
	s8 =	sshll.u32 s21, $0x9  }
0x6: {  	s4 =	simm.s32 $0x0;
	s3 =	rddreg [dreg:$0x5];
	s11 =	sor.u32 s8, s6  }
0x7: {  	[smem:$0x7FF] =	sst s4;
	s8 =	sshrl.u32 s11, $0x3  }
0x8: {  	_ =	strace $0x80000047;
	s6 =	simm.s32 $0x5;
	s5 =	sadd.s32 s5, s8  }
0x9: {  	[tilespmem:s4], [sflag:$0x5] =	stream.linear.gather [hbm4b:s5+s4], $0x200, $0x38;
	[tilespmem:$0x10400] =	vst v63  }
0xa: {  	_ =	swait.ge [sflag:s6], $0x200  }
0xb: {  	[sflag:s6] =	ssyncset.done $0x0  }
0xc: {  	s7 =	sadd.s32 s7, s8;
	s8 =	simm.s32 $0x200;
	[sflag:s6] =	ssyncadd.s32 $0xFFFFFE00  }
0xd: {  	[tilespmem:s8], [sflag:$0x5] =	stream.linear.gather [hbm4b:s7+s4], $0x200, $0x38;
	[tilespmem:$0x10400] =	vst v63  }
0xe: {  	_ =	swait.ge [sflag:s6], $0x200  }
0xf: {  	[sflag:s6] =	ssyncset.done $0x0  }
0x10: {  	s9 =	simm.s32 $0x100;
	s10 =	simm.s32 $0x400;
	[sflag:s6] =	ssyncadd.s32 $0xFFFFFE00  }
0x11: {  	[tilespmem:s10], [sflag:$0x1] =	stream.indirect.gather [hbm4b:s1+s9], $0x80, s4, s9, $0xb8;
	[tilespmem:$0x10400] =	vst v63  }
0x12: {  	s12 =	simm.s32 $0x1;
	s14 =	sshll.u32 s11, $0x5;
	s11 =	simm.s32 $0x8400  }
0x13: {  	[tilespmem:s11], [sflag:$0x2] =	stream.indirect.gather [hbm4b:s1+s9], $0x80, s9, s9, $0xb8;
	[tilespmem:$0x10400] =	vst v63  }
0x14: {  	_ =	swait.ge [sflag:s12], $0x8000  }
0x15: {  	s15 =	simm.s32 $0x3;
	s22 =	sadd.s32 s14, s13;
	[sflag:s12] =	ssyncset.done $0x0  }
0x16: {  	s14 =	simm.s32 $0x800;
	s13 =	sadd.s32 $0x1000, s22;
	[sflag:s12] =	ssyncadd.s32 $0xFFFF8000  }
0x17: {  	[hbm4b:s13+s10] =	stream.strided.scatter [tilespmem:s10], [sflag:$0x3], $0x8000, s14, s10, $0x38;
	[tilespmem:$0x10400] =	vst v63  }
0x18: {  	_ =	swait.ge [sflag:s15], $0x8000  }
0x19: {  	[sflag:s15] =	ssyncset.done $0x0  }
0x1a: {  	s16 =	simm.s32 $0x2;
	[sflag:s15] =	ssyncadd.s32 $0xFFFF8000  }
0x1b: {  	[tilespmem:s10], [sflag:$0x1] =	stream.indirect.gather [hbm4b:s2+s9], $0x80, s8, s9, $0xb8;
	[tilespmem:$0x10400] =	vst v63  }
0x1c: {  	_ =	swait.ge [sflag:s16], $0x8000  }
0x1d: {  	[sflag:s16] =	ssyncset.done $0x0  }
0x1e: {  	s17 =	simm.s32 $0x4;
	s18 =	sadd.s32 $0x3000, s22;
	[sflag:s16] =	ssyncadd.s32 $0xFFFF8000  }
0x1f: {  	[hbm4b:s18+s10] =	stream.strided.scatter [tilespmem:s11], [sflag:$0x4], $0x8000, s14, s10, $0x38;
	[tilespmem:$0x10400] =	vst v63  }
0x20: {  	_ =	swait.ge [sflag:s17], $0x8000  }
0x21: {  	[sflag:s17] =	ssyncset.done $0x0  }
0x22: {  	s19 =	simm.s32 $0x300;
	[sflag:s17] =	ssyncadd.s32 $0xFFFF8000  }
0x23: {  	[tilespmem:s11], [sflag:$0x2] =	stream.indirect.gather [hbm4b:s2+s9], $0x80, s19, s9, $0xb8;
	[tilespmem:$0x10400] =	vst v63  }
0x24: {  	_ =	swait.ge [sflag:s12], $0x8000  }
0x25: {  	[sflag:s12] =	ssyncset.done $0x0  }
0x26: {  	s21 =	ssub.s32 $0x2, s21;
	s20 =	sadd.s32 $0x1080, s22;
	[sflag:s12] =	ssyncadd.s32 $0xFFFF8000  }
0x27: {  	[hbm4b:s20+s10] =	stream.strided.scatter [tilespmem:s10], [sflag:$0x3], $0x8000, s14, s10, $0x38;
	[tilespmem:$0x10400] =	vst v63  }
0x28: {  	s23 =	sshrl.u32 s21, $0x1;
	_ =	swait.ge [sflag:s16], $0x8000  }
0x29: {  	s23 =	ssub.s32 s21, s23;
	[sflag:s16] =	ssyncset.done $0x0  }
0x2a: {  	s31 =	smax.u32 s23, $0x1;
	[sflag:s16] =	ssyncadd.s32 $0xFFFF8000  }
0x2b: {  	p0 =	sne.s32 s31, $0x1;
	_ =	swait.ge [sflag:s15], $0x8000  }
.Ltmp0:
0x2c: {  	[sflag:s15] =	ssyncset.done $0x0;
	(pc) =	sbr.rel @!p0 .LBB2_2-.Ltmp0, $4  }
0x2d: {  	s21 =	sadd.s32 $0x3080, s22;
	[sflag:s15] =	ssyncadd.s32 $0xFFFF8000  }
0x2e: {  	[hbm4b:s21+s10] =	stream.strided.scatter [tilespmem:s11], [sflag:$0x4], $0x8000, s14, s10, $0x38;
	[tilespmem:$0x10400] =	vst v63  }
0x2f: {  	_ =	swait.ge [sflag:s17], $0x8000  }
0x30: {  	s22 =	sadd.s32 $0xFFFFFFFF, s31;
	[sflag:s17] =	ssyncset.done $0x0  }
.LBB2_1:
0x31: {  	p0 =	sne.s32 s22, $0x1;
	s22 =	sadd.s32 $0xFFFFFFFF, s22;
	[sflag:s17] =	ssyncadd.s32 $0xFFFF8000  }
0x32: {  	[tilespmem:s4], [sflag:$0x5] =	stream.linear.gather [hbm4b:s5+s4], $0x200, $0x38;
	[tilespmem:$0x10400] =	vst v63  }
0x33: {  	_ =	swait.ge [sflag:s6], $0x200  }
0x34: {  	[sflag:s6] =	ssyncset.done $0x0  }
0x35: {  	[sflag:s6] =	ssyncadd.s32 $0xFFFFFE00  }
0x36: {  	[tilespmem:s8], [sflag:$0x5] =	stream.linear.gather [hbm4b:s7+s4], $0x200, $0x38;
	[tilespmem:$0x10400] =	vst v63  }
0x37: {  	_ =	swait.ge [sflag:s6], $0x200  }
0x38: {  	[sflag:s6] =	ssyncset.done $0x0  }
0x39: {  	[sflag:s6] =	ssyncadd.s32 $0xFFFFFE00  }
0x3a: {  	[tilespmem:s10], [sflag:$0x1] =	stream.indirect.gather [hbm4b:s1+s9], $0x80, s4, s9, $0xb8;
	[tilespmem:$0x10400] =	vst v63  }
0x3b: {  	_ = 	snop  }
0x3c: {  	[tilespmem:s11], [sflag:$0x2] =	stream.indirect.gather [hbm4b:s1+s9], $0x80, s9, s9, $0xb8;
	[tilespmem:$0x10400] =	vst v63  }
0x3d: {  	_ =	swait.ge [sflag:s12], $0x8000  }
0x3e: {  	[sflag:s12] =	ssyncset.done $0x0  }
0x3f: {  	[sflag:s12] =	ssyncadd.s32 $0xFFFF8000  }
0x40: {  	[hbm4b:s13+s10] =	stream.strided.scatter [tilespmem:s10], [sflag:$0x3], $0x8000, s14, s10, $0x38;
	[tilespmem:$0x10400] =	vst v63  }
0x41: {  	_ =	swait.ge [sflag:s15], $0x8000  }
0x42: {  	[sflag:s15] =	ssyncset.done $0x0  }
0x43: {  	[sflag:s15] =	ssyncadd.s32 $0xFFFF8000  }
0x44: {  	[tilespmem:s10], [sflag:$0x1] =	stream.indirect.gather [hbm4b:s2+s9], $0x80, s8, s9, $0xb8;
	[tilespmem:$0x10400] =	vst v63  }
0x45: {  	_ =	swait.ge [sflag:s16], $0x8000  }
0x46: {  	[sflag:s16] =	ssyncset.done $0x0  }
0x47: {  	[sflag:s16] =	ssyncadd.s32 $0xFFFF8000  }
0x48: {  	[hbm4b:s18+s10] =	stream.strided.scatter [tilespmem:s11], [sflag:$0x4], $0x8000, s14, s10, $0x38;
	[tilespmem:$0x10400] =	vst v63  }
0x49: {  	_ =	swait.ge [sflag:s17], $0x8000  }
0x4a: {  	[sflag:s17] =	ssyncset.done $0x0  }
0x4b: {  	[sflag:s17] =	ssyncadd.s32 $0xFFFF8000  }
0x4c: {  	[tilespmem:s11], [sflag:$0x2] =	stream.indirect.gather [hbm4b:s2+s9], $0x80, s19, s9, $0xb8;
	[tilespmem:$0x10400] =	vst v63  }
0x4d: {  	_ =	swait.ge [sflag:s12], $0x8000  }
0x4e: {  	[sflag:s12] =	ssyncset.done $0x0  }
0x4f: {  	[sflag:s12] =	ssyncadd.s32 $0xFFFF8000  }
0x50: {  	[hbm4b:s20+s10] =	stream.strided.scatter [tilespmem:s10], [sflag:$0x3], $0x8000, s14, s10, $0x38;
	[tilespmem:$0x10400] =	vst v63  }
0x51: {  	_ =	swait.ge [sflag:s16], $0x8000  }
0x52: {  	[sflag:s16] =	ssyncset.done $0x0  }
0x53: {  	[sflag:s16] =	ssyncadd.s32 $0xFFFF8000  }
0x54: {  	_ =	swait.ge [sflag:s15], $0x8000  }
.Ltmp1:
0x55: {  	[sflag:s15] =	ssyncset.done $0x0;
	(pc) =	sbr.rel @p0 .LBB2_1-.Ltmp1, $4  }
0x56: {  	[sflag:s15] =	ssyncadd.s32 $0xFFFF8000  }
0x57: {  	[hbm4b:s21+s10] =	stream.strided.scatter [tilespmem:s11], [sflag:$0x4], $0x8000, s14, s10, $0x38;
	[tilespmem:$0x10400] =	vst v63  }
0x58: {  	_ =	swait.ge [sflag:s17], $0x8000  }
0x59: {  	[sflag:s17] =	ssyncset.done $0x0  }
.LBB2_2:
0x5a: {  	[sflag:s17] =	ssyncadd.s32 $0xFFFF8000  }
0x5b: {  	_ =	sfence.sel $0x180000  }
0x5c: {  	[bflag:$0x0] =	sbarrier.arrive $0xFFFF  }
0x5d: {  	p0 =	sne.s32 s0, $0x0;
	_ =	strace $0x90000047  }
0x5e: {  	s0 =	sadd.s32 @!p0 $0x100000, s3;
	[bflag:$0x2] =	sbarrier.arrive $0xFFFF  }
0x5f: {  	[sflag:s0] =	ssyncadd.tile.s32 @!p0 $0x1;
	_ =	shalt  }
.Lfunc_end2:
_tile_overlayer_lowered:
.L_overlay_start_2:
0x60: {  	(tag) =	ssettag $0x2  }
0x61: {  	s0 =	rddreg [dreg:$0x0];
	s2 =	stileid.u32  }
0x62: {  	s1 =	rddreg [dreg:$0x1];
	p0 =	sne.s32 s2, $0x0  }
0x63: {  	s3 =	rddreg [dreg:$0x2];
	[bflag:$0x3] =	sbarrier.arrive $0xFFFF;
	s2 =	simm.s32 @!p0 $0x1C05  }
0x64: {  	[timem:s3], [sflag:s2] =	dma.local @!p0 [hbm:s0], s1  }
0x65: {  	s0 =	simm.s32 @!p0 $0x5  }
0x66: {  	_ =	swait.ge @!p0 [sflag:s0], s1  }
0x67: {  	s1 =	ssub.s32 @!p0 $0x0, s1;
	[sflag:s0] =	ssyncset.done @!p0 $0x0  }
0x68: {  	[sflag:s0] =	ssyncadd.s32 @!p0 s1  }
0x69: {  	[bflag:$0x3] =	sbarrier.arrive $0xFFFF  }
0x6a: {  	_ =	shalt  }

</sc_bundles>
